<compile_context>
chip_gen: v7x
topology: tpu7x:2x2x1
jax: 0.10.2.dev20260603
libtpu: 0.0.44.dev20260713+nightly
codegen_flags: <defaults>
</compile_context>

<pallas_src>
import functools

import jax
import jax.numpy as jnp
from jax import lax
from jax.experimental import pallas as pl
from jax.experimental.pallas import tpu as pltpu
from jax.experimental.pallas import tpu_sc as plsc

L = 16
NC = 2
NS = 16
NW = NC * NS
B = 16384
D = 32
BPW = B // NW
RD = 8
TW = 128
TP = TW

_mesh = plsc.VectorSubcoreMesh(core_axis_name="c", subcore_axis_name="s")


@functools.partial(
    pl.kernel,
    mesh=_mesh,
    compiler_params=pltpu.CompilerParams(needs_layout_passes=False),
    out_type=jax.ShapeDtypeStruct((B,), jnp.float32),
    scratch_types=[
        pltpu.VMEM((2 * BPW + L,), jnp.int32),
        pltpu.VMEM((RD, D, TP), jnp.float32),
        pltpu.VMEM((RD, D, TP), jnp.float32),
        pltpu.VMEM((BPW,), jnp.float32),
        pltpu.SemaphoreType.DMA,
    ],
)
def _sc_dot(samples_hbm, ut_hbm, gt_hbm, out_hbm,
            s_sm, u_r, g_r, o_v, sem):
    wid = lax.axis_index("s") * NC + lax.axis_index("c")
    base = wid * BPW

    pltpu.sync_copy(samples_hbm.at[pl.ds(2 * base, 2 * BPW)],
                    s_sm.at[pl.ds(0, 2 * BPW)])

    def ids(j):
        vec = s_sm[pl.ds(2 * j, L)]
        return vec[0], vec[1]

    def issue(j):
        slot = j & (RD - 1)
        bu, bg = ids(j)
        tcu = pl.multiple_of((bu >> 7) * TW, TW)
        tcg = pl.multiple_of((bg >> 7) * TW, TW)
        pltpu.async_copy(ut_hbm.at[:, pl.ds(tcu, TW)],
                         u_r.at[slot, :, pl.ds(0, TW)], sem)
        pltpu.async_copy(gt_hbm.at[:, pl.ds(tcg, TW)],
                         g_r.at[slot, :, pl.ds(0, TW)], sem)

    def prologue(j, carry):
        issue(j)
        return carry

    lax.fori_loop(0, RD, prologue, 0)

    iota = lax.iota(jnp.int32, L)

    def extract(j, acc):
        pltpu.make_async_copy(ut_hbm.at[:, pl.ds(0, 2 * TW)],
                              u_r.at[pl.ds(0, 2), :, :], sem).wait()

        slot = j & (RD - 1)
        bu, bg = ids(j)
        cu = bu & (TW - 1)
        cg = bg & (TW - 1)
        sv = jnp.full((L,), slot, jnp.int32)
        cuv = jnp.full((L,), cu, jnp.int32)
        cgv = jnp.full((L,), cg, jnp.int32)
        u_lo = plsc.load_gather(u_r, [sv, iota, cuv])
        u_hi = plsc.load_gather(u_r, [sv, iota + L, cuv])
        g_lo = plsc.load_gather(g_r, [sv, iota, cgv])
        g_hi = plsc.load_gather(g_r, [sv, iota + L, cgv])
        p = u_lo * g_lo + u_hi * g_hi
        s = jnp.sum(p)
        acc = jnp.where(iota == (j & (L - 1)), s, acc)

        @pl.when((j & (L - 1)) == (L - 1))
        def _():
            o_v[pl.ds((j >> 4) * L, L)] = acc

        return acc

    def body(j, acc):
        acc = extract(j, acc)
        issue(j + RD)
        return acc

    acc = lax.fori_loop(0, BPW - RD, body, jnp.zeros((L,), jnp.float32))
    lax.fori_loop(BPW - RD, BPW, extract, acc)

    pltpu.sync_copy(o_v, out_hbm.at[pl.ds(base, BPW)])


def kernel(samples, user_emb, game_emb):
    return _sc_dot(samples.astype(jnp.int32).reshape(-1), user_emb.T, game_emb.T)

# --- scband reference (transcript-rebuilt; emitter-appended) ---
"""Pipeline reference for scband-game-recs-14525579395495 (READ-ONLY COPY).

The authoritative reference and input builder live on the scoring server;
editing this copy changes nothing except your own understanding.
"""

import jax, jax.numpy as jnp
import numpy as np

N_USERS = 1000000
N_GAMES = 1000000
EMB_DIM = 32
BATCH = 16384

def _xavier(key, shape):
    fan_in, fan_out = shape[1], shape[0]
    limit = float(np.sqrt(6.0 / (fan_in + fan_out)))
    return jax.random.uniform(key, shape, dtype=jnp.float32, minval=-limit, maxval=limit)

def setup_inputs(seed: int = 0) -> dict:
    key = jax.random.key(seed)
    k1, k2, k3 = jax.random.split(key, 3)
    samples = jax.random.randint(k1, (BATCH, 2), 0, N_USERS, dtype=jnp.int64) if jax.config.jax_enable_x64 else jax.random.randint(k1, (BATCH, 2), 0, N_USERS, dtype=jnp.int32)
    user_emb = _xavier(k2, (N_USERS, EMB_DIM))
    game_emb = _xavier(k3, (N_GAMES, EMB_DIM))
    return {"samples": samples, "user_emb": user_emb, "game_emb": game_emb}

def reference(samples, user_emb, game_emb):
    users = jnp.take(user_emb, samples[:, 0], axis=0)
    games = jnp.take(game_emb, samples[:, 1], axis=0)
    return jnp.sum(users * games, axis=1)

if __name__ == "__main__":
    import jax
    _d = setup_inputs()
    print(jax.jit(kernel)(*tuple(_d.values())))

</pallas_src>

<mosaic_0001>
#map = affine_map<(d0, d1) -> (0)>
#map1 = affine_map<(d0, d1) -> (0, 0)>
module attributes {stable_mosaic.version = 14 : i64} {
  func.func @_sc_dot(%arg0: i32, %arg1: i32, %arg2: memref<32768xi32, #tpu.memory_space<hbm>>, %arg3: memref<32x1000000xf32, #tpu.memory_space<hbm>>, %arg4: memref<32x1000000xf32, #tpu.memory_space<hbm>>, %arg5: memref<16384xf32, #tpu.memory_space<hbm>>, %arg6: memref<1040xi32, #tpu.memory_space<vmem>>, %arg7: memref<8x32x128xf32, #tpu.memory_space<vmem>>, %arg8: memref<8x32x128xf32, #tpu.memory_space<vmem>>, %arg9: memref<512xf32, #tpu.memory_space<vmem>>, %arg10: memref<!tpu.dma_semaphore, #tpu.memory_space<semaphore_mem>>) attributes {dimension_semantics = [#tpu.dimension_semantics<core_parallel>, #tpu.dimension_semantics<subcore_parallel>], iteration_bounds = array<i64: 2, 16>, scalar_prefetch = 0 : i64, scratch_operands = 5 : i64, tpu.core_type = #tpu.core_type<sc_vector_subcore>, window_params = [{transform_indices = #map}, {transform_indices = #map1}, {transform_indices = #map1}, {transform_indices = #map}]} {
    %mul3A = arith.constant 2 : i32
    %mul3A_0 = arith.muli %arg1, %mul3A : i32
    %add3A = arith.addi %mul3A_0, %arg0 : i32
    %mul3A_1 = arith.constant 512 : i32
    %mul3A_2 = arith.muli %add3A, %mul3A_1 : i32
    %mul3A_3 = arith.constant 2 : i32
    %mul3A_4 = arith.muli %mul3A_3, %mul3A_2 : i32
    "tpu.region"() ({
      %run_scoped3A = tpu.sem_alloc : memref<!tpu.dma_semaphore, #tpu.memory_space<semaphore_mem>>
      %dma_start3A = arith.constant 0 : i32
      %dma_start3A_23 = tpu.memref_slice %arg6[%dma_start3A] : memref<1040xi32, #tpu.memory_space<vmem>> -> memref<1024xi32, #tpu.memory_space<vmem>>
      %dma_start3A_24 = tpu.memref_slice %arg2[%mul3A_4] : memref<32768xi32, #tpu.memory_space<hbm>> -> memref<1024xi32, #tpu.memory_space<hbm>>
      %dma_start3A_25 = arith.constant 0 : i32
      %dma_start3A_26 = tpu.memref_slice %arg6[%dma_start3A_25] : memref<1040xi32, #tpu.memory_space<vmem>> -> memref<1024xi32, #tpu.memory_space<vmem>>
      %dma_start3A_27 = tpu.memref_slice %arg2[%mul3A_4] : memref<32768xi32, #tpu.memory_space<hbm>> -> memref<1024xi32, #tpu.memory_space<hbm>>
      tpu.enqueue_dma source(%dma_start3A_27 : memref<1024xi32, #tpu.memory_space<hbm>>) target(%dma_start3A_26 : memref<1024xi32, #tpu.memory_space<vmem>>) target_semaphore(%run_scoped3A : memref<!tpu.dma_semaphore, #tpu.memory_space<semaphore_mem>>)
      %dma_wait3A = arith.constant 0 : i32
      %dma_wait3A_28 = tpu.memref_slice %arg6[%dma_wait3A] : memref<1040xi32, #tpu.memory_space<vmem>> -> memref<1024xi32, #tpu.memory_space<vmem>>
      %dma_wait3A_29 = tpu.memref_slice %arg2[%mul3A_4] : memref<32768xi32, #tpu.memory_space<hbm>> -> memref<1024xi32, #tpu.memory_space<hbm>>
      %dma_wait3A_30 = arith.constant 0 : i32
      %dma_wait3A_31 = tpu.memref_slice %arg6[%dma_wait3A_30] : memref<1040xi32, #tpu.memory_space<vmem>> -> memref<1024xi32, #tpu.memory_space<vmem>>
      %dma_wait3A_32 = tpu.memref_slice %arg2[%mul3A_4] : memref<32768xi32, #tpu.memory_space<hbm>> -> memref<1024xi32, #tpu.memory_space<hbm>>
      tpu.wait_dma2 semaphore(%run_scoped3A : memref<!tpu.dma_semaphore, #tpu.memory_space<semaphore_mem>>) src(%dma_wait3A_32 : memref<1024xi32, #tpu.memory_space<hbm>>) dst(%dma_wait3A_31 : memref<1024xi32, #tpu.memory_space<vmem>>)
      tpu.yield
    }) : () -> ()
    %scan3A = arith.constant 0 : i32
    %scan3A_5 = arith.constant 0 : i32
    %scan3A_6 = arith.constant 8 : i32
    %scan3A_7 = arith.addi %scan3A_5, %scan3A_6 : i32
    %scan3A_8 = arith.constant 1 : i32
    scf.for %scan3A_23 = %scan3A_5 to %scan3A_7 step %scan3A_8  : i32 {
      %and3A = arith.constant 7 : i32
      %and3A_24 = arith.andi %scan3A_23, %and3A : i32
      %mul3A_25 = arith.constant 2 : i32
      %mul3A_26 = arith.muli %mul3A_25, %scan3A_23 : i32
      %get3A = arith.index_cast %mul3A_26 : i32 to index
      %get3A_27 = tpu.vector_load %arg6[%get3A] {strides = array<i32>} : memref<1040xi32, #tpu.memory_space<vmem>>, vector<16xi32>,
      %slice3A = vector.extract_strided_slice %get3A_27 {offsets = [0], sizes = [1], strides = [1]} : vector<16xi32> to vector<1xi32>
      %squeeze3A = vector.extract %slice3A[0] : i32 from vector<1xi32>
      %slice3A_28 = vector.extract_strided_slice %get3A_27 {offsets = [1], sizes = [1], strides = [1]} : vector<16xi32> to vector<1xi32>
      %squeeze3A_29 = vector.extract %slice3A_28[0] : i32 from vector<1xi32>
      %shift_right_arithmetic3A = arith.constant 7 : i32
      %shift_right_arithmetic3A_30 = arith.shrsi %squeeze3A, %shift_right_arithmetic3A : i32
      %mul3A_31 = arith.constant 128 : i32
      %mul3A_32 = arith.muli %shift_right_arithmetic3A_30, %mul3A_31 : i32
      %multiple_of3A = tpu.assume_multiple %mul3A_32, 128 : i32
      %shift_right_arithmetic3A_33 = arith.constant 7 : i32
      %shift_right_arithmetic3A_34 = arith.shrsi %squeeze3A_29, %shift_right_arithmetic3A_33 : i32
      %mul3A_35 = arith.constant 128 : i32
      %mul3A_36 = arith.muli %shift_right_arithmetic3A_34, %mul3A_35 : i32
      %multiple_of3A_37 = tpu.assume_multiple %mul3A_36, 128 : i32
      %dma_start3A = arith.constant 0 : i32
      %dma_start3A_38 = arith.constant 0 : i32
      %dma_start3A_39 = tpu.memref_slice %arg7[%and3A_24, %dma_start3A, %dma_start3A_38] : memref<8x32x128xf32, #tpu.memory_space<vmem>> -> memref<1x32x128xf32, #tpu.memory_space<vmem>>
      %dma_start3A_40 = tpu.memref_squeeze %dma_start3A_39 : memref<1x32x128xf32, #tpu.memory_space<vmem>> -> memref<32x128xf32, #tpu.memory_space<vmem>>
      %dma_start3A_41 = arith.constant 0 : i32
      %dma_start3A_42 = tpu.memref_slice %arg3[%dma_start3A_41, %multiple_of3A] : memref<32x1000000xf32, #tpu.memory_space<hbm>> -> memref<32x128xf32, #tpu.memory_space<hbm>>
      %dma_start3A_43 = arith.constant 0 : i32
      %dma_start3A_44 = arith.constant 0 : i32
      %dma_start3A_45 = tpu.memref_slice %arg7[%and3A_24, %dma_start3A_43, %dma_start3A_44] : memref<8x32x128xf32, #tpu.memory_space<vmem>> -> memref<1x32x128xf32, #tpu.memory_space<vmem>>
      %dma_start3A_46 = tpu.memref_squeeze %dma_start3A_45 : memref<1x32x128xf32, #tpu.memory_space<vmem>> -> memref<32x128xf32, #tpu.memory_space<vmem>>
      %dma_start3A_47 = arith.constant 0 : i32
      %dma_start3A_48 = tpu.memref_slice %arg3[%dma_start3A_47, %multiple_of3A] : memref<32x1000000xf32, #tpu.memory_space<hbm>> -> memref<32x128xf32, #tpu.memory_space<hbm>>
      tpu.enqueue_dma source(%dma_start3A_48 : memref<32x128xf32, #tpu.memory_space<hbm>>) target(%dma_start3A_46 : memref<32x128xf32, #tpu.memory_space<vmem>>) target_semaphore(%arg10 : memref<!tpu.dma_semaphore, #tpu.memory_space<semaphore_mem>>)
      %dma_start3A_49 = arith.constant 0 : i32
      %dma_start3A_50 = arith.constant 0 : i32
      %dma_start3A_51 = tpu.memref_slice %arg8[%and3A_24, %dma_start3A_49, %dma_start3A_50] : memref<8x32x128xf32, #tpu.memory_space<vmem>> -> memref<1x32x128xf32, #tpu.memory_space<vmem>>
      %dma_start3A_52 = tpu.memref_squeeze %dma_start3A_51 : memref<1x32x128xf32, #tpu.memory_space<vmem>> -> memref<32x128xf32, #tpu.memory_space<vmem>>
      %dma_start3A_53 = arith.constant 0 : i32
      %dma_start3A_54 = tpu.memref_slice %arg4[%dma_start3A_53, %multiple_of3A_37] : memref<32x1000000xf32, #tpu.memory_space<hbm>> -> memref<32x128xf32, #tpu.memory_space<hbm>>
      %dma_start3A_55 = arith.constant 0 : i32
      %dma_start3A_56 = arith.constant 0 : i32
      %dma_start3A_57 = tpu.memref_slice %arg8[%and3A_24, %dma_start3A_55, %dma_start3A_56] : memref<8x32x128xf32, #tpu.memory_space<vmem>> -> memref<1x32x128xf32, #tpu.memory_space<vmem>>
      %dma_start3A_58 = tpu.memref_squeeze %dma_start3A_57 : memref<1x32x128xf32, #tpu.memory_space<vmem>> -> memref<32x128xf32, #tpu.memory_space<vmem>>
      %dma_start3A_59 = arith.constant 0 : i32
      %dma_start3A_60 = tpu.memref_slice %arg4[%dma_start3A_59, %multiple_of3A_37] : memref<32x1000000xf32, #tpu.memory_space<hbm>> -> memref<32x128xf32, #tpu.memory_space<hbm>>
      tpu.enqueue_dma source(%dma_start3A_60 : memref<32x128xf32, #tpu.memory_space<hbm>>) target(%dma_start3A_58 : memref<32x128xf32, #tpu.memory_space<vmem>>) target_semaphore(%arg10 : memref<!tpu.dma_semaphore, #tpu.memory_space<semaphore_mem>>)
    }
    %scan3A_9 = arith.constant 8 : i32
    %iota3A = tpu.iota {dimensions = array<i32: 0>} : vector<16xi32>
    %broadcast_in_dim3A = arith.constant 0.000000e+00 : f32
    %broadcast_in_dim3A_10 = vector.broadcast %broadcast_in_dim3A : f32 to vector<16xf32>
    %scan3A_11 = arith.constant 0 : i32
    %scan3A_12 = arith.constant 504 : i32
    %scan3A_13 = arith.addi %scan3A_11, %scan3A_12 : i32
    %scan3A_14 = arith.constant 1 : i32
    %scan3A_15 = scf.for %scan3A_23 = %scan3A_11 to %scan3A_13 step %scan3A_14 iter_args(%scan3A_24 = %broadcast_in_dim3A_10) -> (vector<16xf32>)  : i32 {
      %dma_wait3A = arith.constant 0 : i32
      %dma_wait3A_25 = arith.constant 0 : i32
      %dma_wait3A_26 = arith.constant 0 : i32
      %dma_wait3A_27 = tpu.memref_slice %arg7[%dma_wait3A, %dma_wait3A_25, %dma_wait3A_26] : memref<8x32x128xf32, #tpu.memory_space<vmem>> -> memref<2x32x128xf32, #tpu.memory_space<vmem>>
      %dma_wait3A_28 = arith.constant 0 : i32
      %dma_wait3A_29 = arith.constant 0 : i32
      %dma_wait3A_30 = tpu.memref_slice %arg3[%dma_wait3A_28, %dma_wait3A_29] : memref<32x1000000xf32, #tpu.memory_space<hbm>> -> memref<32x256xf32, #tpu.memory_space<hbm>>
      %dma_wait3A_31 = arith.constant 0 : i32
      %dma_wait3A_32 = arith.constant 0 : i32
      %dma_wait3A_33 = arith.constant 0 : i32
      %dma_wait3A_34 = tpu.memref_slice %arg7[%dma_wait3A_31, %dma_wait3A_32, %dma_wait3A_33] : memref<8x32x128xf32, #tpu.memory_space<vmem>> -> memref<2x32x128xf32, #tpu.memory_space<vmem>>
      %dma_wait3A_35 = arith.constant 0 : i32
      %dma_wait3A_36 = arith.constant 0 : i32
      %dma_wait3A_37 = tpu.memref_slice %arg3[%dma_wait3A_35, %dma_wait3A_36] : memref<32x1000000xf32, #tpu.memory_space<hbm>> -> memref<32x256xf32, #tpu.memory_space<hbm>>
      tpu.wait_dma2 semaphore(%arg10 : memref<!tpu.dma_semaphore, #tpu.memory_space<semaphore_mem>>) src(%dma_wait3A_37 : memref<32x256xf32, #tpu.memory_space<hbm>>) dst(%dma_wait3A_34 : memref<2x32x128xf32, #tpu.memory_space<vmem>>)
      %and3A = arith.constant 7 : i32
      %and3A_38 = arith.andi %scan3A_23, %and3A : i32
      %mul3A_39 = arith.constant 2 : i32
      %mul3A_40 = arith.muli %mul3A_39, %scan3A_23 : i32
      %get3A = arith.index_cast %mul3A_40 : i32 to index
      %get3A_41 = tpu.vector_load %arg6[%get3A] {strides = array<i32>} : memref<1040xi32, #tpu.memory_space<vmem>>, vector<16xi32>,
      %slice3A = vector.extract_strided_slice %get3A_41 {offsets = [0], sizes = [1], strides = [1]} : vector<16xi32> to vector<1xi32>
      %squeeze3A = vector.extract %slice3A[0] : i32 from vector<1xi32>
      %slice3A_42 = vector.extract_strided_slice %get3A_41 {offsets = [1], sizes = [1], strides = [1]} : vector<16xi32> to vector<1xi32>
      %squeeze3A_43 = vector.extract %slice3A_42[0] : i32 from vector<1xi32>
      %and3A_44 = arith.constant 127 : i32
      %and3A_45 = arith.andi %squeeze3A, %and3A_44 : i32
      %and3A_46 = arith.constant 127 : i32
      %and3A_47 = arith.andi %squeeze3A_43, %and3A_46 : i32
      %broadcast_in_dim3A_48 = vector.broadcast %and3A_38 : i32 to vector<16xi32>
      %broadcast_in_dim3A_49 = vector.broadcast %and3A_45 : i32 to vector<16xi32>
      %broadcast_in_dim3A_50 = vector.broadcast %and3A_47 : i32 to vector<16xi32>
      %gather3A = tpu.vector_load_idx %arg7[%broadcast_in_dim3A_48, %iota3A, %broadcast_in_dim3A_49] : memref<8x32x128xf32, #tpu.memory_space<vmem>>[vector<16xi32>, vector<16xi32>, vector<16xi32>], vector<16xf32>,
      %add3A_51 = arith.constant 16 : i32
      %add3A_52 = vector.broadcast %add3A_51 : i32 to vector<16xi32>
      %add3A_53 = arith.addi %iota3A, %add3A_52 : vector<16xi32>
      %gather3A_54 = tpu.vector_load_idx %arg7[%broadcast_in_dim3A_48, %add3A_53, %broadcast_in_dim3A_49] : memref<8x32x128xf32, #tpu.memory_space<vmem>>[vector<16xi32>, vector<16xi32>, vector<16xi32>], vector<16xf32>,
      %gather3A_55 = tpu.vector_load_idx %arg8[%broadcast_in_dim3A_48, %iota3A, %broadcast_in_dim3A_50] : memref<8x32x128xf32, #tpu.memory_space<vmem>>[vector<16xi32>, vector<16xi32>, vector<16xi32>], vector<16xf32>,
      %add3A_56 = arith.constant 16 : i32
      %add3A_57 = vector.broadcast %add3A_56 : i32 to vector<16xi32>
      %add3A_58 = arith.addi %iota3A, %add3A_57 : vector<16xi32>
      %gather3A_59 = tpu.vector_load_idx %arg8[%broadcast_in_dim3A_48, %add3A_58, %broadcast_in_dim3A_50] : memref<8x32x128xf32, #tpu.memory_space<vmem>>[vector<16xi32>, vector<16xi32>, vector<16xi32>], vector<16xf32>,
      %mul3A_60 = arith.mulf %gather3A, %gather3A_55 : vector<16xf32>
      %mul3A_61 = arith.mulf %gather3A_54, %gather3A_59 : vector<16xf32>
      %add3A_62 = arith.addf %mul3A_60, %mul3A_61 : vector<16xf32>
      %reduce_sum3A = arith.constant true
      %reduce_sum3A_63 = vector.broadcast %reduce_sum3A : i1 to vector<16xi1>
      %reduce_sum3A_64 = tpu.scan <sum>, %add3A_62 masked %reduce_sum3A_63 : vector<16xf32>, vector<16xi1> -> vector<16xf32>
      %reduce_sum3A_65 = vector.extract %reduce_sum3A_64[15] : f32 from vector<16xf32>
      %and3A_66 = arith.constant 15 : i32
      %and3A_67 = arith.andi %scan3A_23, %and3A_66 : i32
      %eq3A = vector.broadcast %and3A_67 : i32 to vector<16xi32>
      %eq3A_68 = arith.cmpi eq, %iota3A, %eq3A : vector<16xi32>
      %broadcast_in_dim3A_69 = vector.broadcast %reduce_sum3A_65 : f32 to vector<16xf32>
      %select_n3A = arith.select %eq3A_68, %broadcast_in_dim3A_69, %scan3A_24 : vector<16xi1>, vector<16xf32>
      %and3A_70 = arith.constant 15 : i32
      %and3A_71 = arith.andi %scan3A_23, %and3A_70 : i32
      %eq3A_72 = arith.constant 15 : i32
      %eq3A_73 = arith.cmpi eq, %and3A_71, %eq3A_72 : i32
      %convert_element_type3A = arith.extui %eq3A_73 : i1 to i32
      %cond3A = arith.constant 0 : i32
      %cond3A_74 = arith.cmpi ne, %convert_element_type3A, %cond3A : i32
      scf.if %cond3A_74 {
        %shift_right_arithmetic3A_118 = arith.constant 4 : i32
        %shift_right_arithmetic3A_119 = arith.shrsi %scan3A_23, %shift_right_arithmetic3A_118 : i32
        %mul3A_120 = arith.constant 16 : i32
        %mul3A_121 = arith.muli %shift_right_arithmetic3A_119, %mul3A_120 : i32
        %swap3A = arith.index_cast %mul3A_121 : i32 to index
        %swap3A_122 = tpu.vector_load %arg9[%swap3A] {strides = array<i32>} : memref<512xf32, #tpu.memory_space<vmem>>, vector<16xf32>,
        tpu.vector_store %arg9[%swap3A], %select_n3A {strides = array<i32>} : memref<512xf32, #tpu.memory_space<vmem>>, vector<16xf32>,
      } else {
      }
      %add3A_75 = arith.constant 8 : i32
      %add3A_76 = arith.addi %scan3A_23, %add3A_75 : i32
      %and3A_77 = arith.constant 7 : i32
      %and3A_78 = arith.andi %add3A_76, %and3A_77 : i32
      %mul3A_79 = arith.constant 2 : i32
      %mul3A_80 = arith.muli %mul3A_79, %add3A_76 : i32
      %get3A_81 = arith.index_cast %mul3A_80 : i32 to index
      %get3A_82 = tpu.vector_load %arg6[%get3A_81] {strides = array<i32>} : memref<1040xi32, #tpu.memory_space<vmem>>, vector<16xi32>,
      %slice3A_83 = vector.extract_strided_slice %get3A_82 {offsets = [0], sizes = [1], strides = [1]} : vector<16xi32> to vector<1xi32>
      %squeeze3A_84 = vector.extract %slice3A_83[0] : i32 from vector<1xi32>
      %slice3A_85 = vector.extract_strided_slice %get3A_82 {offsets = [1], sizes = [1], strides = [1]} : vector<16xi32> to vector<1xi32>
      %squeeze3A_86 = vector.extract %slice3A_85[0] : i32 from vector<1xi32>
      %shift_right_arithmetic3A = arith.constant 7 : i32
      %shift_right_arithmetic3A_87 = arith.shrsi %squeeze3A_84, %shift_right_arithmetic3A : i32
      %mul3A_88 = arith.constant 128 : i32
      %mul3A_89 = arith.muli %shift_right_arithmetic3A_87, %mul3A_88 : i32
      %multiple_of3A = tpu.assume_multiple %mul3A_89, 128 : i32
      %shift_right_arithmetic3A_90 = arith.constant 7 : i32
      %shift_right_arithmetic3A_91 = arith.shrsi %squeeze3A_86, %shift_right_arithmetic3A_90 : i32
      %mul3A_92 = arith.constant 128 : i32
      %mul3A_93 = arith.muli %shift_right_arithmetic3A_91, %mul3A_92 : i32
      %multiple_of3A_94 = tpu.assume_multiple %mul3A_93, 128 : i32
      %dma_start3A = arith.constant 0 : i32
      %dma_start3A_95 = arith.constant 0 : i32
      %dma_start3A_96 = tpu.memref_slice %arg7[%and3A_78, %dma_start3A, %dma_start3A_95] : memref<8x32x128xf32, #tpu.memory_space<vmem>> -> memref<1x32x128xf32, #tpu.memory_space<vmem>>
      %dma_start3A_97 = tpu.memref_squeeze %dma_start3A_96 : memref<1x32x128xf32, #tpu.memory_space<vmem>> -> memref<32x128xf32, #tpu.memory_space<vmem>>
      %dma_start3A_98 = arith.constant 0 : i32
      %dma_start3A_99 = tpu.memref_slice %arg3[%dma_start3A_98, %multiple_of3A] : memref<32x1000000xf32, #tpu.memory_space<hbm>> -> memref<32x128xf32, #tpu.memory_space<hbm>>
      %dma_start3A_100 = arith.constant 0 : i32
      %dma_start3A_101 = arith.constant 0 : i32
      %dma_start3A_102 = tpu.memref_slice %arg7[%and3A_78, %dma_start3A_100, %dma_start3A_101] : memref<8x32x128xf32, #tpu.memory_space<vmem>> -> memref<1x32x128xf32, #tpu.memory_space<vmem>>
      %dma_start3A_103 = tpu.memref_squeeze %dma_start3A_102 : memref<1x32x128xf32, #tpu.memory_space<vmem>> -> memref<32x128xf32, #tpu.memory_space<vmem>>
      %dma_start3A_104 = arith.constant 0 : i32
      %dma_start3A_105 = tpu.memref_slice %arg3[%dma_start3A_104, %multiple_of3A] : memref<32x1000000xf32, #tpu.memory_space<hbm>> -> memref<32x128xf32, #tpu.memory_space<hbm>>
      tpu.enqueue_dma source(%dma_start3A_105 : memref<32x128xf32, #tpu.memory_space<hbm>>) target(%dma_start3A_103 : memref<32x128xf32, #tpu.memory_space<vmem>>) target_semaphore(%arg10 : memref<!tpu.dma_semaphore, #tpu.memory_space<semaphore_mem>>)
      %dma_start3A_106 = arith.constant 0 : i32
      %dma_start3A_107 = arith.constant 0 : i32
      %dma_start3A_108 = tpu.memref_slice %arg8[%and3A_78, %dma_start3A_106, %dma_start3A_107] : memref<8x32x128xf32, #tpu.memory_space<vmem>> -> memref<1x32x128xf32, #tpu.memory_space<vmem>>
      %dma_start3A_109 = tpu.memref_squeeze %dma_start3A_108 : memref<1x32x128xf32, #tpu.memory_space<vmem>> -> memref<32x128xf32, #tpu.memory_space<vmem>>
      %dma_start3A_110 = arith.constant 0 : i32
      %dma_start3A_111 = tpu.memref_slice %arg4[%dma_start3A_110, %multiple_of3A_94] : memref<32x1000000xf32, #tpu.memory_space<hbm>> -> memref<32x128xf32, #tpu.memory_space<hbm>>
      %dma_start3A_112 = arith.constant 0 : i32
      %dma_start3A_113 = arith.constant 0 : i32
      %dma_start3A_114 = tpu.memref_slice %arg8[%and3A_78, %dma_start3A_112, %dma_start3A_113] : memref<8x32x128xf32, #tpu.memory_space<vmem>> -> memref<1x32x128xf32, #tpu.memory_space<vmem>>
      %dma_start3A_115 = tpu.memref_squeeze %dma_start3A_114 : memref<1x32x128xf32, #tpu.memory_space<vmem>> -> memref<32x128xf32, #tpu.memory_space<vmem>>
      %dma_start3A_116 = arith.constant 0 : i32
      %dma_start3A_117 = tpu.memref_slice %arg4[%dma_start3A_116, %multiple_of3A_94] : memref<32x1000000xf32, #tpu.memory_space<hbm>> -> memref<32x128xf32, #tpu.memory_space<hbm>>
      tpu.enqueue_dma source(%dma_start3A_117 : memref<32x128xf32, #tpu.memory_space<hbm>>) target(%dma_start3A_115 : memref<32x128xf32, #tpu.memory_space<vmem>>) target_semaphore(%arg10 : memref<!tpu.dma_semaphore, #tpu.memory_space<semaphore_mem>>)
      scf.yield %select_n3A : vector<16xf32>
    }
    %scan3A_16 = arith.constant 504 : i32
    %scan3A_17 = arith.constant 504 : i32
    %scan3A_18 = arith.constant 8 : i32
    %scan3A_19 = arith.addi %scan3A_17, %scan3A_18 : i32
    %scan3A_20 = arith.constant 1 : i32
    %scan3A_21 = scf.for %scan3A_23 = %scan3A_17 to %scan3A_19 step %scan3A_20 iter_args(%scan3A_24 = %scan3A_15) -> (vector<16xf32>)  : i32 {
      %dma_wait3A = arith.constant 0 : i32
      %dma_wait3A_25 = arith.constant 0 : i32
      %dma_wait3A_26 = arith.constant 0 : i32
      %dma_wait3A_27 = tpu.memref_slice %arg7[%dma_wait3A, %dma_wait3A_25, %dma_wait3A_26] : memref<8x32x128xf32, #tpu.memory_space<vmem>> -> memref<2x32x128xf32, #tpu.memory_space<vmem>>
      %dma_wait3A_28 = arith.constant 0 : i32
      %dma_wait3A_29 = arith.constant 0 : i32
      %dma_wait3A_30 = tpu.memref_slice %arg3[%dma_wait3A_28, %dma_wait3A_29] : memref<32x1000000xf32, #tpu.memory_space<hbm>> -> memref<32x256xf32, #tpu.memory_space<hbm>>
      %dma_wait3A_31 = arith.constant 0 : i32
      %dma_wait3A_32 = arith.constant 0 : i32
      %dma_wait3A_33 = arith.constant 0 : i32
      %dma_wait3A_34 = tpu.memref_slice %arg7[%dma_wait3A_31, %dma_wait3A_32, %dma_wait3A_33] : memref<8x32x128xf32, #tpu.memory_space<vmem>> -> memref<2x32x128xf32, #tpu.memory_space<vmem>>
      %dma_wait3A_35 = arith.constant 0 : i32
      %dma_wait3A_36 = arith.constant 0 : i32
      %dma_wait3A_37 = tpu.memref_slice %arg3[%dma_wait3A_35, %dma_wait3A_36] : memref<32x1000000xf32, #tpu.memory_space<hbm>> -> memref<32x256xf32, #tpu.memory_space<hbm>>
      tpu.wait_dma2 semaphore(%arg10 : memref<!tpu.dma_semaphore, #tpu.memory_space<semaphore_mem>>) src(%dma_wait3A_37 : memref<32x256xf32, #tpu.memory_space<hbm>>) dst(%dma_wait3A_34 : memref<2x32x128xf32, #tpu.memory_space<vmem>>)
      %and3A = arith.constant 7 : i32
      %and3A_38 = arith.andi %scan3A_23, %and3A : i32
      %mul3A_39 = arith.constant 2 : i32
      %mul3A_40 = arith.muli %mul3A_39, %scan3A_23 : i32
      %get3A = arith.index_cast %mul3A_40 : i32 to index
      %get3A_41 = tpu.vector_load %arg6[%get3A] {strides = array<i32>} : memref<1040xi32, #tpu.memory_space<vmem>>, vector<16xi32>,
      %slice3A = vector.extract_strided_slice %get3A_41 {offsets = [0], sizes = [1], strides = [1]} : vector<16xi32> to vector<1xi32>
      %squeeze3A = vector.extract %slice3A[0] : i32 from vector<1xi32>
      %slice3A_42 = vector.extract_strided_slice %get3A_41 {offsets = [1], sizes = [1], strides = [1]} : vector<16xi32> to vector<1xi32>
      %squeeze3A_43 = vector.extract %slice3A_42[0] : i32 from vector<1xi32>
      %and3A_44 = arith.constant 127 : i32
      %and3A_45 = arith.andi %squeeze3A, %and3A_44 : i32
      %and3A_46 = arith.constant 127 : i32
      %and3A_47 = arith.andi %squeeze3A_43, %and3A_46 : i32
      %broadcast_in_dim3A_48 = vector.broadcast %and3A_38 : i32 to vector<16xi32>
      %broadcast_in_dim3A_49 = vector.broadcast %and3A_45 : i32 to vector<16xi32>
      %broadcast_in_dim3A_50 = vector.broadcast %and3A_47 : i32 to vector<16xi32>
      %gather3A = tpu.vector_load_idx %arg7[%broadcast_in_dim3A_48, %iota3A, %broadcast_in_dim3A_49] : memref<8x32x128xf32, #tpu.memory_space<vmem>>[vector<16xi32>, vector<16xi32>, vector<16xi32>], vector<16xf32>,
      %add3A_51 = arith.constant 16 : i32
      %add3A_52 = vector.broadcast %add3A_51 : i32 to vector<16xi32>
      %add3A_53 = arith.addi %iota3A, %add3A_52 : vector<16xi32>
      %gather3A_54 = tpu.vector_load_idx %arg7[%broadcast_in_dim3A_48, %add3A_53, %broadcast_in_dim3A_49] : memref<8x32x128xf32, #tpu.memory_space<vmem>>[vector<16xi32>, vector<16xi32>, vector<16xi32>], vector<16xf32>,
      %gather3A_55 = tpu.vector_load_idx %arg8[%broadcast_in_dim3A_48, %iota3A, %broadcast_in_dim3A_50] : memref<8x32x128xf32, #tpu.memory_space<vmem>>[vector<16xi32>, vector<16xi32>, vector<16xi32>], vector<16xf32>,
      %add3A_56 = arith.constant 16 : i32
      %add3A_57 = vector.broadcast %add3A_56 : i32 to vector<16xi32>
      %add3A_58 = arith.addi %iota3A, %add3A_57 : vector<16xi32>
      %gather3A_59 = tpu.vector_load_idx %arg8[%broadcast_in_dim3A_48, %add3A_58, %broadcast_in_dim3A_50] : memref<8x32x128xf32, #tpu.memory_space<vmem>>[vector<16xi32>, vector<16xi32>, vector<16xi32>], vector<16xf32>,
      %mul3A_60 = arith.mulf %gather3A, %gather3A_55 : vector<16xf32>
      %mul3A_61 = arith.mulf %gather3A_54, %gather3A_59 : vector<16xf32>
      %add3A_62 = arith.addf %mul3A_60, %mul3A_61 : vector<16xf32>
      %reduce_sum3A = arith.constant true
      %reduce_sum3A_63 = vector.broadcast %reduce_sum3A : i1 to vector<16xi1>
      %reduce_sum3A_64 = tpu.scan <sum>, %add3A_62 masked %reduce_sum3A_63 : vector<16xf32>, vector<16xi1> -> vector<16xf32>
      %reduce_sum3A_65 = vector.extract %reduce_sum3A_64[15] : f32 from vector<16xf32>
      %and3A_66 = arith.constant 15 : i32
      %and3A_67 = arith.andi %scan3A_23, %and3A_66 : i32
      %eq3A = vector.broadcast %and3A_67 : i32 to vector<16xi32>
      %eq3A_68 = arith.cmpi eq, %iota3A, %eq3A : vector<16xi32>
      %broadcast_in_dim3A_69 = vector.broadcast %reduce_sum3A_65 : f32 to vector<16xf32>
      %select_n3A = arith.select %eq3A_68, %broadcast_in_dim3A_69, %scan3A_24 : vector<16xi1>, vector<16xf32>
      %and3A_70 = arith.constant 15 : i32
      %and3A_71 = arith.andi %scan3A_23, %and3A_70 : i32
      %eq3A_72 = arith.constant 15 : i32
      %eq3A_73 = arith.cmpi eq, %and3A_71, %eq3A_72 : i32
      %convert_element_type3A = arith.extui %eq3A_73 : i1 to i32
      %cond3A = arith.constant 0 : i32
      %cond3A_74 = arith.cmpi ne, %convert_element_type3A, %cond3A : i32
      scf.if %cond3A_74 {
        %shift_right_arithmetic3A = arith.constant 4 : i32
        %shift_right_arithmetic3A_75 = arith.shrsi %scan3A_23, %shift_right_arithmetic3A : i32
        %mul3A_76 = arith.constant 16 : i32
        %mul3A_77 = arith.muli %shift_right_arithmetic3A_75, %mul3A_76 : i32
        %swap3A = arith.index_cast %mul3A_77 : i32 to index
        %swap3A_78 = tpu.vector_load %arg9[%swap3A] {strides = array<i32>} : memref<512xf32, #tpu.memory_space<vmem>>, vector<16xf32>,
        tpu.vector_store %arg9[%swap3A], %select_n3A {strides = array<i32>} : memref<512xf32, #tpu.memory_space<vmem>>, vector<16xf32>,
      } else {
      }
      scf.yield %select_n3A : vector<16xf32>
    }
    %scan3A_22 = arith.constant 8 : i32
    "tpu.region"() ({
      %run_scoped3A = tpu.sem_alloc : memref<!tpu.dma_semaphore, #tpu.memory_space<semaphore_mem>>
      %dma_start3A = tpu.memref_slice %arg5[%mul3A_2] : memref<16384xf32, #tpu.memory_space<hbm>> -> memref<512xf32, #tpu.memory_space<hbm>>
      %dma_start3A_23 = tpu.memref_slice %arg5[%mul3A_2] : memref<16384xf32, #tpu.memory_space<hbm>> -> memref<512xf32, #tpu.memory_space<hbm>>
      tpu.enqueue_dma source(%arg9 : memref<512xf32, #tpu.memory_space<vmem>>) target(%dma_start3A_23 : memref<512xf32, #tpu.memory_space<hbm>>) target_semaphore(%run_scoped3A : memref<!tpu.dma_semaphore, #tpu.memory_space<semaphore_mem>>)
      %dma_wait3A = tpu.memref_slice %arg5[%mul3A_2] : memref<16384xf32, #tpu.memory_space<hbm>> -> memref<512xf32, #tpu.memory_space<hbm>>
      %dma_wait3A_24 = tpu.memref_slice %arg5[%mul3A_2] : memref<16384xf32, #tpu.memory_space<hbm>> -> memref<512xf32, #tpu.memory_space<hbm>>
      tpu.wait_dma2 semaphore(%run_scoped3A : memref<!tpu.dma_semaphore, #tpu.memory_space<semaphore_mem>>) src(%arg9 : memref<512xf32, #tpu.memory_space<vmem>>) dst(%dma_wait3A_24 : memref<512xf32, #tpu.memory_space<hbm>>)
      tpu.yield
    }) : () -> ()
    return
  }
}

</mosaic_0001>

<sc_bundles>
// kernel: kernel.3.cloned.1.call-start
scs
__scs_entry_jumppad:
0x0: {  	(pc) =	sbr.rel $0x88, $3  }
0x1: {  	(tag) =	ssettag $0x0;
	lr =	simm.s32 $0x1  }
0x2: {  	[smem:$0x3F9E] =	sst lr;
	_ =	strace $0xD0000000  }
0x3: {  	_ = 	snop  }
0x4: {  	_ = 	snop  }
0x5: {  	_ = 	snop  }
0x6: {  	_ = 	snop  }
0x7: {  	_ = 	snop  }
__scs_overlays_trampoline_lowered:
0x8: {  	[smem:$0x3FAD] =	sst s0  }
0x9: {  	[smem:$0x3FAE] =	sst s1  }
0xa: {  	[smem:$0x3FAF] =	sst s2  }
0xb: {  	[smem:$0x3FB0] =	sst s3  }
0xc: {  	[smem:$0x3FB1] =	sst s4  }
0xd: {  	[smem:$0x3FB2] =	sst s5  }
0xe: {  	[smem:$0x3FB3] =	sst s6  }
0xf: {  	[smem:$0x3FB4] =	sst s7  }
0x10: {  	[smem:$0x3FB5] =	sst s8  }
0x11: {  	[smem:$0x3FB6] =	sst s9;
	s0 =	simm.s32 @!p0 $0x0  }
0x12: {  	s1 =	sld [smem:$0x3F9C];
	s0 =	simm.s32 @p0 $0x1  }
0x13: {  	[smem:$0x3FB7] =	sst s0;
	s0 =	simm.s32 @!p1 $0x0  }
0x14: {  	s2 =	sld [smem:$0x3F9B];
	s0 =	simm.s32 @p1 $0x1  }
0x15: {  	[smem:$0x3FB8] =	sst s0;
	s0 =	simm.s32 @!p2 $0x0  }
0x16: {  	s3 =	sld [smem:$0x3FDB];
	s0 =	simm.s32 @p2 $0x1  }
0x17: {  	s4 =	simm.s32 $0x1BF5;
	[smem:$0x3FBA] =	sst s0  }
0x18: {  	s0 =	sld [smem:$0x3F9D];
	_ =	swait.ge [sflag:s4], $0x0  }
0x19: {  	s7 =	sld [smem:$0x3F9E]  }
0x1a: {  	s8 =	sadd.s32 $0xFFFFE003, lr  }
0x1b: {  	s9 =	sadd.s32 $0xFFFFFEF7, lr;
	s5 =	simm.s32 $0xFFFFFFFF;
	p2 =	slt.u32 s8, $0xFFFFF086  }
0x1c: {  	p1 =	slt.u32 s9, $0xF7A;
	s5 =	simm.s32 @!p2 $0x0  }
0x1d: {  	s5 =	simm.s32 @p1 $0x1;
	p0 =	seq.s32 s7, s2  }
0x1e: {  	s7 =	smul.u32 @!p0 $0xF7A, s2;
	p2 =	seq.s32 @!p0 s5, $0x0  }
0x1f: {  	s9 =	smul.u32 $0xF7A, s1;
	s8 =	simm.s32 @!p0 $0x1BF5;
	p2 =	por !p2, p0  }
0x20: {  	[sflag:s8] =	ssyncset.s32 @!p0 $0xFFFFF086;
	s6 =	sadd.s32 @!p0 s3, s7;
	s7 =	simm.s32 @!p0 $0x108  }
0x21: {  	s3 =	sadd.s32 s3, s9;
	s6 =	sadd.s32 @!p0 $0x88, s6;
	s7 =	simm.s32 @p2 $0x1082  }
0x22: {  	[simem:s7], [sflag:s8] =	dma.local @!p0 [hbm:s6], $0xF7A  }
0x23: {  	s9 =	sor.u32 $0xD0000000, s2;
	s6 =	simm.s32 $0x108;
	_ =	swait.ge @!p0 [sflag:s8], $0x0  }
0x24: {  	s3 =	sadd.s32 $0x88, s3;
	s6 =	simm.s32 @!p1 $0x1082;
	[sflag:s4] =	ssyncset.s32 $0xFFFFF086  }
0x25: {  	[simem:s6], [sflag:s4] =	dma.local [hbm:s3], $0xF7A  }
0x26: {  	[smem:$0x3F9E] =	sst s1;
	(tag) =	ssettag s2;
	_ =	strace s9  }
0x27: {  	s1 =	sld [smem:$0x3FAE]  }
0x28: {  	s2 =	sld [smem:$0x3FAF]  }
0x29: {  	s4 =	sld [smem:$0x3FB1]  }
0x2a: {  	p0 =	seq.s32 s5, $0x0;
	s5 =	sld [smem:$0x3FB2]  }
0x2b: {  	s6 =	sld [smem:$0x3FB3]  }
0x2c: {  	s7 =	sld [smem:$0x3FB4]  }
0x2d: {  	s3 =	simm.s32 $0x108;
	s8 =	sld [smem:$0x3FB5]  }
0x2e: {  	s3 =	simm.s32 @!p0 $0x1082;
	s9 =	sld [smem:$0x3FB6]  }
0x2f: {  	lr =	sadd.s32 s0, s3;
	s0 =	sld [smem:$0x3FAD]  }
0x30: {  	s3 =	sld [smem:$0x3FB0]  }
0x31: {  	[smem:$0x3FB9] =	sst s10  }
0x32: {  	s10 =	sld [smem:$0x3FB7];
	_ =	sdelay $0x3  }
0x33: {  	p0 =	seq.s32 s10, $0x1;
	s10 =	sld [smem:$0x3FB9];
	_ =	sdelay $0x3  }
0x34: {  	[smem:$0x3FB9] =	sst s10  }
0x35: {  	s10 =	sld [smem:$0x3FB8];
	_ =	sdelay $0x3  }
0x36: {  	p1 =	seq.s32 s10, $0x1;
	s10 =	sld [smem:$0x3FB9];
	_ =	sdelay $0x3  }
0x37: {  	[smem:$0x3FB9] =	sst s10  }
0x38: {  	s10 =	sld [smem:$0x3FBA]  }
0x39: {  	_ = 	snop;
	(pc) =	sbr.ind lr, $3  }
0x3a: {  	_ = 	snop  }
0x3b: {  	_ = 	snop  }
0x3c: {  	p2 =	seq.s32 s10, $0x1;
	s10 =	sld [smem:$0x3FB9]  }
0x3d: {  	_ =	shalt  }
0x3e: {  	_ =	shalt  }
0x3f: {  	_ =	shalt  }
0x40: {  	_ =	shalt  }
0x41: {  	_ =	shalt  }
0x42: {  	_ =	shalt  }
0x43: {  	_ =	shalt  }
0x44: {  	_ =	shalt  }
0x45: {  	_ =	shalt  }
0x46: {  	_ =	shalt  }
0x47: {  	_ =	shalt  }
0x48: {  	_ =	shalt  }
0x49: {  	_ =	shalt  }
0x4a: {  	_ =	shalt  }
0x4b: {  	_ =	shalt  }
0x4c: {  	_ =	shalt  }
0x4d: {  	_ =	shalt  }
0x4e: {  	_ =	shalt  }
0x4f: {  	_ =	shalt  }
0x50: {  	_ =	shalt  }
0x51: {  	_ =	shalt  }
0x52: {  	_ =	shalt  }
0x53: {  	_ =	shalt  }
0x54: {  	_ =	shalt  }
0x55: {  	_ =	shalt  }
0x56: {  	_ =	shalt  }
0x57: {  	_ =	shalt  }
0x58: {  	_ =	shalt  }
0x59: {  	_ =	shalt  }
0x5a: {  	_ =	shalt  }
0x5b: {  	_ =	shalt  }
0x5c: {  	_ =	shalt  }
0x5d: {  	_ =	shalt  }
0x5e: {  	_ =	shalt  }
0x5f: {  	_ =	shalt  }
0x60: {  	_ =	shalt  }
0x61: {  	_ =	shalt  }
0x62: {  	_ =	shalt  }
0x63: {  	_ =	shalt  }
0x64: {  	_ =	shalt  }
0x65: {  	_ =	shalt  }
0x66: {  	_ =	shalt  }
0x67: {  	_ =	shalt  }
0x68: {  	_ =	shalt  }
0x69: {  	_ =	shalt  }
0x6a: {  	_ =	shalt  }
0x6b: {  	_ =	shalt  }
0x6c: {  	_ =	shalt  }
0x6d: {  	_ =	shalt  }
0x6e: {  	_ =	shalt  }
0x6f: {  	_ =	shalt  }
0x70: {  	_ =	shalt  }
0x71: {  	_ =	shalt  }
0x72: {  	_ =	shalt  }
0x73: {  	_ =	shalt  }
0x74: {  	_ =	shalt  }
0x75: {  	_ =	shalt  }
0x76: {  	_ =	shalt  }
0x77: {  	_ =	shalt  }
0x78: {  	_ =	shalt  }
0x79: {  	_ =	shalt  }
0x7a: {  	_ =	shalt  }
0x7b: {  	_ =	shalt  }
0x7c: {  	_ =	shalt  }
0x7d: {  	_ =	shalt  }
0x7e: {  	_ =	shalt  }
0x7f: {  	_ =	shalt  }
0x80: {  	_ =	shalt  }
0x81: {  	_ =	shalt  }
0x82: {  	_ =	shalt  }
0x83: {  	_ =	shalt  }
0x84: {  	_ =	shalt  }
0x85: {  	_ =	shalt  }
0x86: {  	_ =	shalt  }
0x87: {  	_ =	shalt  }
.Lfunc_end0:
.L_simem_size_0:
called_computation_lowered:
.L_overlay_start_0:
0x88: {  	s2 =	sld [smem:$0x3FD9]  }
0x89: {  	s3 =	sld [smem:$0x3FFE];
	_ =	sdelay $0x1  }
0x8a: {  	s1 =	srdreg.scid  }
0x8b: {  	s0 =	sand.u32 $0x1, s1  }
0x8c: {  	s17 =	sshll.u32 s0, $0xA;
	s2 =	sadd.s32 s3, s2  }
0x8d: {  	s2 =	sadd.s32 s2, s17  }
0x8e: {  	[smem:$0x3FC5] =	sst s2  }
0x8f: {  	_ = 	snop  }
0x90: {  	s2 =	sld [smem:$0x3FC8]  }
0x91: {  	s18 =	sld [smem:$0x3FC7]  }
0x92: {  	s4 =	sld [smem:$0x3FD0];
	(tm) =	ssettm $0x1  }
0x93: {  	s5 =	sld [smem:$0x3FFB];
	_ =	sdelay $0x3  }
0x94: {  	_ =	strace s5  }
0x95: {  	s5 =	sld [smem:$0x3FFC];
	_ =	sdelay $0x3  }
0x96: {  	_ =	strace s5  }
0x97: {  	s5 =	sld [smem:$0x3FFD];
	_ =	sdelay $0x3  }
0x98: {  	_ =	strace s5  }
0x99: {  	_ =	strace $0x8FFFFFFF  }
0x9a: {  	s19 =	sld [smem:$0x3FDB];
	_ =	sdelay $0x1  }
0x9b: {  	s6 =	simm.s32 $_scs_section_size  }
0x9c: {  	s7 =	simm.s32 $_size__tile_overlayer_lowered;
	s8 =	simm.s32 $_tile_overlayer_lowered  }
0x9d: {  	s22 =	simm.s32 $0x1BFF;
	s21 =	sshll.u32 s8, $0x1;
	s5 =	sadd.s32 s6, s19  }
0x9e: {  	s9 =	simm.s32 $0x0;
	s20 =	sshll.u32 s7, $0x1;
	s7 =	sadd.s32 s21, s5  }
0x9f: {  	[timem:s9], [sflag:s22] =	dma.local [hbm:s7], s20  }
0xa0: {  	_ =	swait.ge [sflag:s22], s20  }
0xa1: {  	s6 =	ssub.s32 $0x0, s20;
	[sflag:s22] =	ssyncset.done $0x0  }
0xa2: {  	[sflag:s22] =	ssyncadd.s32 s6;
	_ =	sdelay $0x1  }
0xa3: {  	s23 =	simm.s32 $0x1B8B  }
0xa4: {  	_ =	swait.ge [sflag:s23], $0x1  }
0xa5: {  	[sflag:s23] =	ssyncset.done $0x0  }
0xa6: {  	s25 =	simm.s32 $0x1B8E;
	s24 =	sld [smem:$0x3FFE];
	[sflag:s23] =	ssyncadd.s32 $0xFFFFFFFF  }
0xa7: {  	s26 =	simm.s32 $execute0_lowered;
	[smem:$0x3FD2] =	sst s25  }
0xa8: {  	s7 =	sshll.u32 s26, $0x1;
	_ =	strace $0x80000046;
	[dreg:$0x1] =	wrdreg $0xFFFFFFFF  }
0xa9: {  	s28 =	simm.s32 $_size_execute0_lowered;
	s5 =	sadd.s32 s5, s7;
	[dreg:$0x0] =	wrdreg $0x0  }
0xaa: {  	s7 =	sshll.u32 s28, $0x1;
	[dreg:$0x2] =	wrdreg s5  }
0xab: {  	[dreg:$0x3] =	wrdreg s7  }
0xac: {  	[dreg:$0x4] =	wrdreg $0xC0  }
0xad: {  	_ =	task [dreg:s9], $0x5FFFF  }
0xae: {  	[dreg:$0x1] =	wrdreg $0xFFFFFFFF  }
0xaf: {  	[dreg:$0x0] =	wrdreg $0x60  }
0xb0: {  	[dreg:$0x2] =	wrdreg s24  }
0xb1: {  	[dreg:$0x3] =	wrdreg s2  }
0xb2: {  	[dreg:$0x4] =	wrdreg s18  }
0xb3: {  	[dreg:$0x5] =	wrdreg s4  }
0xb4: {  	[dreg:$0x6] =	wrdreg $0x9  }
0xb5: {  	_ =	task.clear_ibuf [dreg:s9], $0x7FFFF;
	_ =	strace $0x90000046  }
0xb6: {  	s29 =	simm.s32 $0x9;
	_ =	strace $0x80000048  }
0xb7: {  	_ =	swait.ge [sflag:s29], $0x1  }
0xb8: {  	[sflag:s29] =	ssyncadd.s32 $0xFFFFFFFF  }
0xb9: {  	_ =	strace $0x90000048  }
0xba: {  	_ =	sfence  }
0xbb: {  	s30 =	sld [smem:$0x0];
	_ =	sdelay $0x2  }
0xbc: {  	s31 =	sshll.u32 s1, $0xD;
	s1 =	sshrl.u32 s1, $0x2  }
0xbd: {  	s3 =	sand.u32 $0x4000, s31;
	s1 =	sadd.s32 s1, s30  }
0xbe: {  	s0 =	sor.u32 s3, s0;
	s1 =	sshll.u32 s1, $0x11  }
0xbf: {  	s0 =	sor.u32 s1, s0  }
0xc0: {  	s0 =	sadd.s32 $0x8F2B, s0  }
0xc1: {  	[sflag:s0] =	ssyncadd.remote.s32 $0x1  }
0xc2: {  	_ =	sfence.sel $0xFFFF  }
0xc3: {  	[dreg:$0x0] =	wrdreg $0xFFFFFFFF;
	(pc) =	sbr.abs _section_cstart, $3  }
0xc4: {  	[dreg:$0x1] =	wrdreg $0xFFFFFFFF  }
0xc5: {  	_ =	task.clear_ibuf [dreg:s9], $0x2FFFF;
	_ =	strace $0x9FFFFFFF  }
0xc6: {  	(tm) =	ssettm $0x7FFFFFFF  }
0xc7: {  	_ =	shalt  }
tec
execute0_lowered:
.L_overlay_start_1:
0x0: {  	(tag) =	ssettag $0x1  }
0x1: {  	s0 =	rddreg [dreg:$0x0]  }
0x2: {  	s1 =	rddreg [dreg:$0x1]  }
0x3: {  	s3 =	rddreg [dreg:$0x2];
	s2 =	srdreg.scid  }
0x4: {  	s4 =	stileid.u32;
	s6 =	rddreg [dreg:$0x3];
	s8 =	simm.s32 $0x2  }
0x5: {  	s9 =	simm.s32 $0x400;
	s10 =	simm.s32 $0x7A1400;
	s11 =	simm.s32 $0x480  }
0x6: {  	s12 =	simm.s32 $0x8480;
	s16 =	simm.s32 $0xA480;
	s17 =	simm.s32 $0x3480  }
0x7: {  	s18 =	simm.s32 $0xB480;
	s19 =	simm.s32 $0x4480;
	s20 =	simm.s32 $0xC480  }
0x8: {  	s21 =	simm.s32 $0x5480;
	s22 =	simm.s32 $0xD480;
	s23 =	simm.s32 $0x6480  }
0x9: {  	s24 =	simm.s32 $0xE480;
	s25 =	simm.s32 $0x7480;
	s28 =	simm.s32 $0x1  }
0xa: {  	s29 =	simm.s32 $0x10480;
	s2 =	sand.u32 $0x1, s2;
	s5 =	sshll.u32 s4, $0x1  }
0xb: {  	s30 =	simm.s32 $0x0;
	s4 =	simm.s32 $0x0;
	s7 =	sor.u32 s2, s5  }
0xc: {  	v0 =	vlaneseq.u32;
	[smem:$0x7FF] =	sst s4;
	s2 =	ssub.s32 $0x2, s2;
	s5 =	sshll.u32 s7, $0x7  }
0xd: {  	v1 =	vmul.u32 $0x80, v0;
	_ =	strace $0x80000047;
	s26 =	sshrl.u32 s2, $0x1;
	s31 =	sshll.u32 s7, $0x6  }
0xe: {  	s0 =	sadd.s32 s5, s0;
	s2 =	ssub.s32 s2, s26;
	s6 =	sadd.s32 s6, s31  }
0xf: {  	v2 =	vor.u32 $0x800, v1;
	s26 =	simm.s32 $0xF480;
	s5 =	sadd.s32 $0x400, s0;
	s7 =	smax.u32 s2, $0x1  }
.LBB2_1:
0x10: {  	[tilespmem:s4], [sflag:$0x2] =	stream.linear.gather [hbm4b:s5+s4], $0x400, $0x38;
	[tilespmem:$0x10680] =	vst v63  }
0x11: {  	_ =	swait.ge [sflag:s8], $0x400  }
0x12: {  	[sflag:s8] =	ssyncset.done $0x0  }
0x13: {  	[sflag:s8] =	ssyncadd.s32 $0xFFFFFC00  }
0x14: {  	v3 =	vld [tilespmem:$0x0];
	_ =	sdelay $0x4  }
0x15: {  	(v2sf) =	vpush v3, $0x0;
	_ =	sdelay $0x1  }
0x16: {  	(v2sf) =	vpush v3, $0x1;
	_ =	sdelay $0xc  }
0x17: {  	s0 =	spop (v2sf)  }
0x18: {  	s0 =	sand.u32 $0xFFFFF80, s0  }
0x19: {  	s14 =	spop (v2sf);
	s0 =	sadd.s32 s1, s0  }
0x1a: {  	[tilespmem:s11], [sflag:$0x1] =	stream.strided.gather [hbm4b:s0+s9], $0x1000, s10, s9, $0x38;
	[tilespmem:$0x10680] =	vst v63  }
0x1b: {  	s0 =	sand.u32 $0xFFFFF80, s14  }
0x1c: {  	s0 =	sadd.s32 s3, s0  }
0x1d: {  	[tilespmem:s12], [sflag:$0x1] =	stream.strided.gather [hbm4b:s0+s9], $0x1000, s10, s9, $0x38;
	[tilespmem:$0x10680] =	vst v63  }
0x1e: {  	v3 =	vld [tilespmem:$0x2];
	_ =	sdelay $0x4  }
0x1f: {  	(v2sf) =	vpush v3, $0x0;
	_ =	sdelay $0x3  }
0x20: {  	(v2sf) =	vpush v3, $0x1;
	_ =	sdelay $0xa  }
0x21: {  	s15 =	spop (v2sf)  }
0x22: {  	s0 =	sand.u32 $0xFFFFF80, s15  }
0x23: {  	s2 =	simm.s32 $0x1480;
	s0 =	sadd.s32 s1, s0  }
0x24: {  	[tilespmem:s2], [sflag:$0x1] =	stream.strided.gather [hbm4b:s0+s9], $0x1000, s10, s9, $0x38;
	[tilespmem:$0x10680] =	vst v63  }
0x25: {  	s2 =	spop (v2sf)  }
0x26: {  	s0 =	sand.u32 $0xFFFFF80, s2  }
0x27: {  	s13 =	simm.s32 $0x9480;
	s0 =	sadd.s32 s3, s0  }
0x28: {  	[tilespmem:s13], [sflag:$0x1] =	stream.strided.gather [hbm4b:s0+s9], $0x1000, s10, s9, $0x38;
	[tilespmem:$0x10680] =	vst v63  }
0x29: {  	v3 =	vld [tilespmem:$0x4];
	_ =	sdelay $0x4  }
0x2a: {  	(v2sf) =	vpush v3, $0x0;
	_ =	sdelay $0x1  }
0x2b: {  	(v2sf) =	vpush v3, $0x1;
	_ =	sdelay $0xc  }
0x2c: {  	s14 =	spop (v2sf)  }
0x2d: {  	s0 =	sand.u32 $0xFFFFF80, s14  }
0x2e: {  	s15 =	simm.s32 $0x2480;
	s13 =	spop (v2sf);
	s0 =	sadd.s32 s1, s0  }
0x2f: {  	[tilespmem:s15], [sflag:$0x1] =	stream.strided.gather [hbm4b:s0+s9], $0x1000, s10, s9, $0x38;
	[tilespmem:$0x10680] =	vst v63  }
0x30: {  	s0 =	sand.u32 $0xFFFFF80, s13  }
0x31: {  	s0 =	sadd.s32 s3, s0  }
0x32: {  	[tilespmem:s16], [sflag:$0x1] =	stream.strided.gather [hbm4b:s0+s9], $0x1000, s10, s9, $0x38;
	[tilespmem:$0x10680] =	vst v63  }
0x33: {  	v3 =	vld [tilespmem:$0x6];
	_ =	sdelay $0x4  }
0x34: {  	(v2sf) =	vpush v3, $0x0;
	_ =	sdelay $0x1  }
0x35: {  	(v2sf) =	vpush v3, $0x1;
	_ =	sdelay $0xc  }
0x36: {  	s14 =	spop (v2sf)  }
0x37: {  	s0 =	sand.u32 $0xFFFFF80, s14  }
0x38: {  	s15 =	spop (v2sf);
	s0 =	sadd.s32 s1, s0  }
0x39: {  	[tilespmem:s17], [sflag:$0x1] =	stream.strided.gather [hbm4b:s0+s9], $0x1000, s10, s9, $0x38;
	[tilespmem:$0x10680] =	vst v63  }
0x3a: {  	s0 =	sand.u32 $0xFFFFF80, s15  }
0x3b: {  	s0 =	sadd.s32 s3, s0  }
0x3c: {  	[tilespmem:s18], [sflag:$0x1] =	stream.strided.gather [hbm4b:s0+s9], $0x1000, s10, s9, $0x38;
	[tilespmem:$0x10680] =	vst v63  }
0x3d: {  	v3 =	vld [tilespmem:$0x8];
	_ =	sdelay $0x4  }
0x3e: {  	(v2sf) =	vpush v3, $0x0;
	_ =	sdelay $0x1  }
0x3f: {  	(v2sf) =	vpush v3, $0x1;
	_ =	sdelay $0xc  }
0x40: {  	s2 =	spop (v2sf)  }
0x41: {  	s0 =	sand.u32 $0xFFFFF80, s2  }
0x42: {  	s13 =	spop (v2sf);
	s0 =	sadd.s32 s1, s0  }
0x43: {  	[tilespmem:s19], [sflag:$0x1] =	stream.strided.gather [hbm4b:s0+s9], $0x1000, s10, s9, $0x38;
	[tilespmem:$0x10680] =	vst v63  }
0x44: {  	s0 =	sand.u32 $0xFFFFF80, s13  }
0x45: {  	s0 =	sadd.s32 s3, s0  }
0x46: {  	[tilespmem:s20], [sflag:$0x1] =	stream.strided.gather [hbm4b:s0+s9], $0x1000, s10, s9, $0x38;
	[tilespmem:$0x10680] =	vst v63  }
0x47: {  	v3 =	vld [tilespmem:$0xA];
	_ =	sdelay $0x4  }
0x48: {  	(v2sf) =	vpush v3, $0x0;
	_ =	sdelay $0x1  }
0x49: {  	(v2sf) =	vpush v3, $0x1;
	_ =	sdelay $0xc  }
0x4a: {  	s14 =	spop (v2sf)  }
0x4b: {  	s0 =	sand.u32 $0xFFFFF80, s14  }
0x4c: {  	s15 =	spop (v2sf);
	s0 =	sadd.s32 s1, s0  }
0x4d: {  	[tilespmem:s21], [sflag:$0x1] =	stream.strided.gather [hbm4b:s0+s9], $0x1000, s10, s9, $0x38;
	[tilespmem:$0x10680] =	vst v63  }
0x4e: {  	s0 =	sand.u32 $0xFFFFF80, s15  }
0x4f: {  	s0 =	sadd.s32 s3, s0  }
0x50: {  	[tilespmem:s22], [sflag:$0x1] =	stream.strided.gather [hbm4b:s0+s9], $0x1000, s10, s9, $0x38;
	[tilespmem:$0x10680] =	vst v63  }
0x51: {  	v3 =	vld [tilespmem:$0xC];
	_ =	sdelay $0x4  }
0x52: {  	(v2sf) =	vpush v3, $0x0;
	_ =	sdelay $0x1  }
0x53: {  	(v2sf) =	vpush v3, $0x1;
	_ =	sdelay $0xc  }
0x54: {  	s2 =	spop (v2sf)  }
0x55: {  	s0 =	sand.u32 $0xFFFFF80, s2  }
0x56: {  	s13 =	spop (v2sf);
	s0 =	sadd.s32 s1, s0  }
0x57: {  	[tilespmem:s23], [sflag:$0x1] =	stream.strided.gather [hbm4b:s0+s9], $0x1000, s10, s9, $0x38;
	[tilespmem:$0x10680] =	vst v63  }
0x58: {  	s0 =	sand.u32 $0xFFFFF80, s13  }
0x59: {  	s0 =	sadd.s32 s3, s0  }
0x5a: {  	[tilespmem:s24], [sflag:$0x1] =	stream.strided.gather [hbm4b:s0+s9], $0x1000, s10, s9, $0x38;
	[tilespmem:$0x10680] =	vst v63  }
0x5b: {  	v3 =	vld [tilespmem:$0xE];
	_ =	sdelay $0x4  }
0x5c: {  	(v2sf) =	vpush v3, $0x0;
	_ =	sdelay $0x1  }
0x5d: {  	(v2sf) =	vpush v3, $0x1;
	_ =	sdelay $0xc  }
0x5e: {  	s14 =	spop (v2sf)  }
0x5f: {  	s0 =	sand.u32 $0xFFFFF80, s14  }
0x60: {  	s15 =	spop (v2sf);
	s0 =	sadd.s32 s1, s0  }
0x61: {  	[tilespmem:s25], [sflag:$0x1] =	stream.strided.gather [hbm4b:s0+s9], $0x1000, s10, s9, $0x38;
	[tilespmem:$0x10680] =	vst v63  }
0x62: {  	s0 =	sand.u32 $0xFFFFF80, s15  }
0x63: {  	s0 =	sadd.s32 s3, s0  }
0x64: {  	[tilespmem:s26], [sflag:$0x1] =	stream.strided.gather [hbm4b:s0+s9], $0x1000, s10, s9, $0x38;
	[tilespmem:$0x10680] =	vst v63  }
0x65: {  	s31 =	simm.s32 $0x0;
	s2 =	simm.s32 $0x0;
	v3 =	vimm.f32 $0.0e+00;
	s0 =	simm.s32 $0x10  }
.LBB2_2:
0x66: {  	_ =	swait.ge [sflag:s28], $0x2000  }
0x67: {  	[sflag:s28] =	ssyncset.done $0x0  }
0x68: {  	[sflag:s28] =	ssyncadd.s32 $0xFFFFE000  }
0x69: {  	v4 =	vld [tilespmem:s0+$0xFFFFFFF0];
	_ =	sdelay $0x4  }
0x6a: {  	(v2sf) =	vpush v4, $0x0;
	_ =	sdelay $0x1  }
0x6b: {  	(v2sf) =	vpush v4, $0x1;
	_ =	sdelay $0xb  }
0x6c: {  	s13 =	sand.u32 $0x7, s31  }
0x6d: {  	s13 =	sshll.u32 s13, $0xC;
	s14 =	spop (v2sf)  }
0x6e: {  	v4 =	vor.u32 s13, v1;
	s14 =	sand.u32 $0x7F, s14  }
0x6f: {  	v6 =	vor.u32 s13, v2;
	s15 =	spop (v2sf);
	v5 =	vor.u32 s14, v4  }
0x70: {  	s15 =	sand.u32 $0x7F, s15;
	v7 =	vor.u32 s14, v6  }
0x71: {  	v4 =	vor.u32 s15, v4  }
0x72: {  	v6 =	vor.u32 s15, v6;
	_ =	sdelay $0x1  }
0x73: {  	v5 =	vld.idx.msk [tilespmem:v5+s11+$0x0], $0xffff  }
0x74: {  	v7 =	vld.idx.msk [tilespmem:v7+s11+$0x0], $0xffff  }
0x75: {  	v4 =	vld.idx.msk [tilespmem:v4+s12+$0x0], $0xffff  }
0x76: {  	v6 =	vld.idx.msk [tilespmem:v6+s12+$0x0], $0xffff;
	_ =	sdelay $0x4  }
0x77: {  	v4 =	vmul.f32 v4, v5;
	v5 =	vmul.f32 v6, v7;
	_ =	sdelay $0x1  }
0x78: {  	v4 =	vadd.f32 v5, v4;
	_ =	sdelay $0x1  }
0x79: {  	(xrf2) =	vadd.scan.msk.f32 $0xffff, v4;
	_ =	sdelay $0x9  }
0x7a: {  	s15 =	sand.u32 $0xF, s31;
	v4, _, _ =	vpop (xrf2)  }
0x7b: {  	v5 =	vmov s15;
	v4 =	vbroadcast v4, $0xF  }
0x7c: {  	p0 =	sne.s32 s15, $0xF;
	vm0 =	veq.s32 v5, v0  }
0x7d: {  	s13 =	sand.u32 @!p0 $0x1F0, s31;
	v3 =	vsel vm0, v4, v3  }
0x7e: {  	[tilespmem:s13+$0x10480] =	vst @!p0 v3  }
0x7f: {  	v4 =	vld [tilespmem:s0+$0x0];
	_ =	sdelay $0x4  }
0x80: {  	(v2sf) =	vpush v4, $0x0;
	_ =	sdelay $0x4  }
0x81: {  	(v2sf) =	vpush v4, $0x1;
	_ =	sdelay $0x9  }
0x82: {  	s14 =	spop (v2sf)  }
0x83: {  	s31 =	sadd.s32 $0x1, s31;
	s13 =	sand.u32 $0xFFFFF80, s14;
	s14 =	sand.u32 $0x7000, s2  }
0x84: {  	p0 =	sne.s32 s31, $0x1F8;
	s15 =	sor.u32 $0x480, s14;
	s13 =	sadd.s32 s1, s13  }
0x85: {  	[tilespmem:s15], [sflag:$0x1] =	stream.strided.gather [hbm4b:s13+s9], $0x1000, s10, s9, $0x38;
	[tilespmem:$0x10680] =	vst v63  }
.Ltmp0:
0x86: {  	_ = 	snop;
	(pc) =	sbr.rel @p0 .LBB2_2-.Ltmp0, $4  }
0x87: {  	s15 =	spop (v2sf)  }
0x88: {  	s0 =	sadd.s32 $0x2, s0;
	s13 =	sand.u32 $0xFFFFF80, s15  }
0x89: {  	s2 =	sadd.s32 $0x1000, s2;
	s14 =	sor.u32 $0x8480, s14;
	s13 =	sadd.s32 s3, s13  }
0x8a: {  	[tilespmem:s14], [sflag:$0x1] =	stream.strided.gather [hbm4b:s13+s9], $0x1000, s10, s9, $0x38;
	[tilespmem:$0x10680] =	vst v63  }
0x8b: {  	_ =	swait.ge [sflag:s28], $0x2000  }
0x8c: {  	[sflag:s28] =	ssyncset.done $0x0  }
0x8d: {  	s31 =	simm.s32 $0x3F0;
	[sflag:s28] =	ssyncadd.s32 $0xFFFFE000  }
0x8e: {  	v4 =	vld [tilespmem:s31+$0x0];
	_ =	sdelay $0x4  }
0x8f: {  	(v2sf) =	vpush v4, $0x0;
	_ =	sdelay $0x1  }
0x90: {  	(v2sf) =	vpush v4, $0x1;
	_ =	sdelay $0xc  }
0x91: {  	s0 =	simm.s32 $0x0;
	s2 =	spop (v2sf)  }
0x92: {  	v4 =	vor.u32 s0, v1;
	s2 =	sand.u32 $0x7F, s2  }
0x93: {  	v5 =	vor.u32 s0, v2;
	s14 =	spop (v2sf);
	v6 =	vor.u32 s2, v4  }
0x94: {  	s0 =	sand.u32 $0x7F, s14;
	v7 =	vor.u32 s2, v5  }
0x95: {  	v4 =	vor.u32 s0, v4  }
0x96: {  	v5 =	vor.u32 s0, v5;
	_ =	sdelay $0x1  }
0x97: {  	v6 =	vld.idx.msk [tilespmem:v6+s11+$0x0], $0xffff  }
0x98: {  	v7 =	vld.idx.msk [tilespmem:v7+s11+$0x0], $0xffff  }
0x99: {  	v4 =	vld.idx.msk [tilespmem:v4+s12+$0x0], $0xffff  }
0x9a: {  	v5 =	vld.idx.msk [tilespmem:v5+s12+$0x0], $0xffff;
	_ =	sdelay $0x4  }
0x9b: {  	v4 =	vmul.f32 v4, v6;
	v5 =	vmul.f32 v5, v7;
	_ =	sdelay $0x1  }
0x9c: {  	v4 =	vadd.f32 v5, v4;
	_ =	sdelay $0x1  }
0x9d: {  	(xrf2) =	vadd.scan.msk.f32 $0xffff, v4;
	_ =	sdelay $0x8  }
0x9e: {  	p0 =	por $0x1, $0x1;
	s15 =	simm.s32 $0x8  }
0x9f: {  	s13 =	simm.s32 $0x1F8;
	p0 =	por p0, p0;
	s2 =	simm.s32 $0x1;
	v4 =	vmov s15;
	v5, _, _ =	vpop (xrf2)  }
.LBB2_4:
0xa0: {  	p2 =	sne.s32 s2, $0x7  }
0xa1: {  	vm0 =	veq.s32 v4, v0;
	v4 =	vbroadcast v5, $0xF;
	s31 =	sadd.s32 $0x2, s31;
	s0 =	smov.u32 s2;
	s2 =	sadd.s32 $0x1, s2  }
0xa2: {  	s13 =	sand.u32 @!p0 $0x1F0, s13;
	p1 =	sne.s32 s2, $0x8  }
0xa3: {  	v3 =	vsel vm0, v4, v3  }
0xa4: {  	[tilespmem:s13+$0x10480] =	vst @!p0 v3;
	p0 =	por p2, p2  }
0xa5: {  	_ =	swait.ge [sflag:s28], $0x2000  }
0xa6: {  	[sflag:s28] =	ssyncset.done $0x0  }
0xa7: {  	[sflag:s28] =	ssyncadd.s32 $0xFFFFE000  }
0xa8: {  	v4 =	vld [tilespmem:s31+$0x0];
	_ =	sdelay $0x4  }
0xa9: {  	(v2sf) =	vpush v4, $0x0  }
0xaa: {  	(v2sf) =	vpush v4, $0x1;
	_ =	sdelay $0xd  }
0xab: {  	s13 =	sshll.u32 s0, $0xC;
	s14 =	spop (v2sf)  }
0xac: {  	v5 =	vor.u32 s13, v2;
	v4 =	vor.u32 s13, v1;
	s14 =	sand.u32 $0x7F, s14;
	s13 =	spop (v2sf)  }
0xad: {  	s13 =	sand.u32 $0x7F, s13;
	v6 =	vor.u32 s14, v4;
	v7 =	vor.u32 s14, v5  }
0xae: {  	v4 =	vor.u32 s13, v4;
	v5 =	vor.u32 s13, v5;
	_ =	sdelay $0x3  }
0xaf: {  	v6 =	vld.idx.msk [tilespmem:v6+s11+$0x0], $0xffff  }
0xb0: {  	v7 =	vld.idx.msk [tilespmem:v7+s11+$0x0], $0xffff  }
0xb1: {  	v4 =	vld.idx.msk [tilespmem:v4+s12+$0x0], $0xffff  }
0xb2: {  	v5 =	vld.idx.msk [tilespmem:v5+s12+$0x0], $0xffff;
	_ =	sdelay $0x4  }
0xb3: {  	v4 =	vmul.f32 v4, v6  }
0xb4: {  	v5 =	vmul.f32 v5, v7;
	_ =	sdelay $0x1  }
0xb5: {  	v4 =	vadd.f32 v5, v4;
	_ =	sdelay $0x1  }
0xb6: {  	(xrf2) =	vadd.scan.msk.f32 $0xffff, v4;
	_ =	sdelay $0x5  }
.Ltmp1:
0xb7: {  	(pc) =	sbr.rel @p1 .LBB2_4-.Ltmp1, $3  }
0xb8: {  	_ =	sdelay $0x1  }
0xb9: {  	s14 =	sadd.s32 $0x8, s0  }
0xba: {  	s13 =	sadd.s32 $0x1F8, s0;
	v4 =	vmov s14;
	v5, _, _ =	vpop (xrf2)  }
0xbb: {  	v5 =	vbroadcast v5, $0xF  }
0xbc: {  	vm0 =	veq.s32 v4, v0  }
0xbd: {  	s0 =	sand.u32 @!p0 $0x1F0, s13;
	s30 =	sadd.s32 $0x1, s30;
	v3 =	vsel vm0, v5, v3  }
0xbe: {  	[tilespmem:s0+$0x10480] =	vst @!p0 v3;
	p0 =	sne.s32 s30, s7  }
.Ltmp2:
0xbf: {  	_ = 	snop;
	(pc) =	sbr.rel @p0 .LBB2_1-.Ltmp2, $4  }
0xc0: {  	[hbm4b:s6+s4] =	stream.linear.scatter [tilespmem:s29], [sflag:$0x2], $0x200, $0x38;
	[tilespmem:$0x10680] =	vst v63  }
0xc1: {  	_ =	swait.ge [sflag:s8], $0x200  }
0xc2: {  	[sflag:s8] =	ssyncset.done $0x0  }
0xc3: {  	[sflag:s8] =	ssyncadd.s32 $0xFFFFFE00  }
0xc4: {  	_ =	sfence.sel $0x180000  }
0xc5: {  	[bflag:$0x0] =	sbarrier.arrive $0xFFFF  }
0xc6: {  	_ =	strace $0x90000047  }
0xc7: {  	s0 =	stileid.u32;
	[bflag:$0x2] =	sbarrier.arrive $0xFFFF  }
0xc8: {  	p0 =	sne.s32 s0, $0x0;
	s0 =	rddreg [dreg:$0x4]  }
0xc9: {  	s0 =	sadd.s32 @!p0 $0x100000, s0  }
0xca: {  	[sflag:s0] =	ssyncadd.tile.s32 @!p0 $0x1;
	_ =	shalt  }
.Lfunc_end2:
_tile_overlayer_lowered:
.L_overlay_start_2:
0xcb: {  	(tag) =	ssettag $0x2  }
0xcc: {  	s0 =	rddreg [dreg:$0x0];
	s2 =	stileid.u32  }
0xcd: {  	s1 =	rddreg [dreg:$0x1];
	p0 =	sne.s32 s2, $0x0  }
0xce: {  	s3 =	rddreg [dreg:$0x2];
	[bflag:$0x3] =	sbarrier.arrive $0xFFFF;
	s2 =	simm.s32 @!p0 $0x1C02  }
0xcf: {  	[timem:s3], [sflag:s2] =	dma.local @!p0 [hbm:s0], s1  }
0xd0: {  	s0 =	simm.s32 @!p0 $0x2  }
0xd1: {  	_ =	swait.ge @!p0 [sflag:s0], s1  }
0xd2: {  	s1 =	ssub.s32 @!p0 $0x0, s1;
	[sflag:s0] =	ssyncset.done @!p0 $0x0  }
0xd3: {  	[sflag:s0] =	ssyncadd.s32 @!p0 s1  }
0xd4: {  	[bflag:$0x3] =	sbarrier.arrive $0xFFFF  }
0xd5: {  	_ =	shalt  }

</sc_bundles>
